<compile_context>
chip_gen: v7x
topology: tpu7x:2x2x1
jax: 0.10.2.dev20260603
libtpu: 0.0.44.dev20260713+nightly
codegen_flags: <defaults>
</compile_context>

<pallas_src>
import functools

import jax
import jax.numpy as jnp
from jax import lax
from jax.experimental import pallas as pl
from jax.experimental.pallas import tpu as pltpu
from jax.experimental.pallas import tpu_sc as plsc

NUM_ARMS = 1000000
D = 32
B = 4096
S = 50
N = B * S
DP = 128
Q = 250240
BK = 10880
NBLK = Q // BK

NC = 2
NS = 16
NW = NC * NS
CHUNK = B // NW
L = 16


def _pack_body(s0, s1, s2, s3, eye_ref, out_ref):
  x = jnp.concatenate([s0[...], s1[...], s2[...], s3[...]], axis=0)
  out_ref[...] = lax.dot_general(
      x, eye_ref[...], (((0,), (0,)), ((), ())),
      preferred_element_type=jnp.float32)


def _pack(table_tp, eye):
  specs = [
      pl.BlockSpec((D, BK), (lambda i, j=j: (0, j * NBLK + i)))
      for j in range(4)
  ]
  specs.append(pl.BlockSpec((DP, DP), lambda i: (0, 0)))
  return pl.pallas_call(
      _pack_body,
      grid=(NBLK,),
      in_specs=specs,
      out_specs=pl.BlockSpec((BK, DP), lambda i: (i, 0)),
      out_shape=jax.ShapeDtypeStruct((Q, DP), jnp.float32),
  )(table_tp, table_tp, table_tp, table_tp, eye)


def _sc_gather_body(action_hbm, table_hbm, out_hbm, idx4_v,
                    buf0, buf1, sem0, sem1):
  wid = lax.axis_index("s") * NC + lax.axis_index("c")
  bbase = wid * CHUNK
  pltpu.sync_copy(action_hbm.at[:, pl.ds(bbase, CHUNK)], idx4_v)

  bufs = (buf0, buf1)
  sems = (sem0, sem1)

  pltpu.async_copy(table_hbm.at[idx4_v.at[0]], buf0, sem0)
  pltpu.async_copy(table_hbm.at[idx4_v.at[1]], buf1, sem1)

  def step(i, _):
    base = i * 2
    for b in range(2):
      s = base + b
      pltpu.make_async_copy(table_hbm.at[idx4_v.at[s]], bufs[b],
                            sems[b]).wait()
      pltpu.sync_copy(bufs[b], out_hbm.at[pl.ds(s * B + bbase, CHUNK)])
      @pl.when(s + 2 < S)
      def _():
        pltpu.async_copy(table_hbm.at[idx4_v.at[s + 2]], bufs[b], sems[b])
    return 0

  lax.fori_loop(0, S // 2, step, 0)


_sc_gather = functools.partial(
    pl.kernel,
    out_type=jax.ShapeDtypeStruct((N, DP), jnp.float32),
    mesh=plsc.VectorSubcoreMesh(core_axis_name="c", subcore_axis_name="s"),
    scratch_types=[
        pltpu.VMEM((S, CHUNK), jnp.int32),
        pltpu.VMEM((CHUNK, DP), jnp.float32),
        pltpu.VMEM((CHUNK, DP), jnp.float32),
        pltpu.SemaphoreType.DMA,
        pltpu.SemaphoreType.DMA,
    ],
    compiler_params=pltpu.CompilerParams(use_tc_tiling_on_sc=True,
                                         needs_layout_passes=False),
)(_sc_gather_body)


TBB = 4096


def _tc_assemble_body(state_ref, reward_ref, act_ref, aidx_ref, eye_ref,
                      wo_ref, bo_ref, wr_ref, br_ref, out_ref):
  j = (aidx_ref[0] // Q).reshape(TBB, 1)
  act = act_ref[0]
  sel = jnp.where(
      j < 2,
      jnp.where(j == 0, act[:, 0:D], act[:, D:2 * D]),
      jnp.where(j == 2, act[:, 2 * D:3 * D], act[:, 3 * D:4 * D]))
  out_ref[1] = lax.dot_general(
      eye_ref[...], sel, (((1,), (1,)), ((), ())),
      preferred_element_type=jnp.float32)
  wo = jnp.transpose(wo_ref[...])
  bo = jnp.transpose(bo_ref[...])
  wr = jnp.transpose(wr_ref[...])
  br = jnp.transpose(br_ref[...])
  st = state_ref[0]
  rw = reward_ref[0]
  out_ref[0] = wo * st + bo
  out_ref[2] = wr * rw + br


def _tc_assemble(state_t, reward_t, act4, action_t, eye,
                 W_obs, b_obs, W_rew, b_rew):
  grid = (S, B // TBB)
  return pl.pallas_call(
      _tc_assemble_body,
      grid=grid,
      in_specs=[
          pl.BlockSpec((1, 1, TBB), lambda s, j: (s, 0, j)),
          pl.BlockSpec((1, 1, TBB), lambda s, j: (s, 0, j)),
          pl.BlockSpec((1, TBB, DP), lambda s, j: (s, j, 0)),
          pl.BlockSpec((1, 1, TBB), lambda s, j: (s, 0, j)),
          pl.BlockSpec((D, D), lambda s, j: (0, 0)),
          pl.BlockSpec((1, D), lambda s, j: (0, 0)),
          pl.BlockSpec((1, D), lambda s, j: (0, 0)),
          pl.BlockSpec((1, D), lambda s, j: (0, 0)),
          pl.BlockSpec((1, D), lambda s, j: (0, 0)),
      ],
      out_specs=pl.BlockSpec((3, D, TBB), lambda s, j: (s, 0, j)),
      out_shape=jax.ShapeDtypeStruct((3 * S, D, B), jnp.float32),
  )(state_t, reward_t, act4, action_t, eye, W_obs, b_obs, W_rew, b_rew)


@jax.jit
def kernel(state, action, reward, W_obs, b_obs, emb_table, W_rew, b_rew):
  action_t = action.astype(jnp.int32).T
  state_t = state.transpose(1, 2, 0)
  reward_t = reward.T.reshape(S, 1, B)
  table_tp = emb_table.T
  eye = jnp.eye(D, dtype=jnp.float32)
  table4 = _pack(table_tp, jnp.eye(DP, dtype=jnp.float32))
  act4 = _sc_gather(action_t % Q, table4)
  out_t = _tc_assemble(
      state_t,
      reward_t,
      act4.reshape(S, B, DP),
      action_t.reshape(S, 1, B),
      eye,
      W_obs,
      b_obs.reshape(1, D),
      W_rew,
      b_rew.reshape(1, D),
  )
  return out_t.transpose(2, 0, 1)

# --- scband reference (transcript-rebuilt; emitter-appended) ---
"""Pipeline reference for scband-bandit-adencoder-19585050870244 (READ-ONLY COPY).

The authoritative reference and input builder live on the scoring server;
editing this copy changes nothing except your own understanding.
"""

import jax, jax.numpy as jnp
import numpy as np

NUM_ARMS = 1000000
EMBED_DIM = 32
B = 4096
S = 50


def setup_inputs(seed: int = 0) -> dict:
    key = jax.random.key(seed)
    ks = jax.random.split(key, 8)
    state = jax.random.normal(ks[0], (B, S, 1), dtype=jnp.float32)
    action = jax.random.randint(ks[1], (B, S), 0, NUM_ARMS)
    reward = jax.random.normal(ks[2], (B, S), dtype=jnp.float32)
    # Learned parameters
    W_obs = jax.random.normal(ks[3], (1, EMBED_DIM), dtype=jnp.float32) * 0.02
    b_obs = jnp.zeros((EMBED_DIM,), dtype=jnp.float32)
    emb_table = jax.random.normal(ks[4], (NUM_ARMS, EMBED_DIM), dtype=jnp.float32) * 0.02
    W_rew = jax.random.normal(ks[5], (1, EMBED_DIM), dtype=jnp.float32) * 0.02
    b_rew = jnp.zeros((EMBED_DIM,), dtype=jnp.float32)
    return {
        'state': state,
        'action': action,
        'reward': reward,
        'W_obs': W_obs,
        'b_obs': b_obs,
        'emb_table': emb_table,
        'W_rew': W_rew,
        'b_rew': b_rew,
    }


def reference(state, action, reward, W_obs, b_obs, emb_table, W_rew, b_rew):
    # observation_emb: Linear(1, embed_dim)
    obs_tokens = jnp.matmul(state, W_obs) + b_obs  # [B, S, D]
    # action_emb: Embed(num_arms, embed_dim) -> row gather
    act_tokens = jnp.take(emb_table, action, axis=0)  # [B, S, D]
    # reward_emb: MLP with no hidden layers == Linear(1, embed_dim), identity activation
    rew_tokens = jnp.matmul(reward[..., None], W_rew) + b_rew  # [B, S, D]
    batch_size, seq_len = state.shape[:2]
    output_sequence = jnp.concatenate(
        (obs_tokens[:, :, None, :], act_tokens[:, :, None, :], rew_tokens[:, :, None, :]),
        axis=2,
    ).reshape((batch_size, 3 * seq_len, EMBED_DIM))
    return output_sequence

if __name__ == "__main__":
    import jax
    _d = setup_inputs()
    print(jax.jit(kernel)(*tuple(_d.values())))

</pallas_src>

<mosaic_0001>
#map = affine_map<(d0, d1) -> (0, 0)>
module attributes {stable_mosaic.version = 14 : i64} {
  func.func @_sc_gather_body(%arg0: i32, %arg1: i32, %arg2: memref<50x4096xi32, #tpu.memory_space<hbm>>, %arg3: memref<250240x128xf32, #tpu.memory_space<hbm>>, %arg4: memref<204800x128xf32, #tpu.memory_space<hbm>>, %arg5: memref<50x128xi32, #tpu.memory_space<vmem>>, %arg6: memref<128x128xf32, #tpu.memory_space<vmem>>, %arg7: memref<128x128xf32, #tpu.memory_space<vmem>>, %arg8: memref<!tpu.dma_semaphore, #tpu.memory_space<semaphore_mem>>, %arg9: memref<!tpu.dma_semaphore, #tpu.memory_space<semaphore_mem>>) attributes {dimension_semantics = [#tpu.dimension_semantics<core_parallel>, #tpu.dimension_semantics<subcore_parallel>], iteration_bounds = array<i64: 2, 16>, scalar_prefetch = 0 : i64, scratch_operands = 5 : i64, tpu.core_type = #tpu.core_type<sc_vector_subcore>, window_params = [{transform_indices = #map}, {transform_indices = #map}, {transform_indices = #map}]} {
    %mul3A = arith.constant 2 : i32
    %mul3A_0 = arith.muli %arg1, %mul3A : i32
    %add3A = arith.addi %mul3A_0, %arg0 : i32
    %mul3A_1 = arith.constant 128 : i32
    %mul3A_2 = arith.muli %add3A, %mul3A_1 : i32
    "tpu.region"() ({
      %run_scoped3A = tpu.sem_alloc : memref<!tpu.dma_semaphore, #tpu.memory_space<semaphore_mem>>
      %dma_start3A_22 = arith.constant 0 : i32
      %dma_start3A_23 = tpu.memref_slice %arg2[%dma_start3A_22, %mul3A_2] : memref<50x4096xi32, #tpu.memory_space<hbm>> -> memref<50x128xi32, #tpu.memory_space<hbm>>
      %dma_start3A_24 = arith.constant 0 : i32
      %dma_start3A_25 = tpu.memref_slice %arg2[%dma_start3A_24, %mul3A_2] : memref<50x4096xi32, #tpu.memory_space<hbm>> -> memref<50x128xi32, #tpu.memory_space<hbm>>
      tpu.enqueue_dma source(%dma_start3A_25 : memref<50x128xi32, #tpu.memory_space<hbm>>) target(%arg5 : memref<50x128xi32, #tpu.memory_space<vmem>>) target_semaphore(%run_scoped3A : memref<!tpu.dma_semaphore, #tpu.memory_space<semaphore_mem>>)
      %dma_wait3A = arith.constant 0 : i32
      %dma_wait3A_26 = tpu.memref_slice %arg2[%dma_wait3A, %mul3A_2] : memref<50x4096xi32, #tpu.memory_space<hbm>> -> memref<50x128xi32, #tpu.memory_space<hbm>>
      %dma_wait3A_27 = arith.constant 0 : i32
      %dma_wait3A_28 = tpu.memref_slice %arg2[%dma_wait3A_27, %mul3A_2] : memref<50x4096xi32, #tpu.memory_space<hbm>> -> memref<50x128xi32, #tpu.memory_space<hbm>>
      tpu.wait_dma2 semaphore(%run_scoped3A : memref<!tpu.dma_semaphore, #tpu.memory_space<semaphore_mem>>) src(%dma_wait3A_28 : memref<50x128xi32, #tpu.memory_space<hbm>>) dst(%arg5 : memref<50x128xi32, #tpu.memory_space<vmem>>)
      tpu.yield
    }) : () -> ()
    %dma_start3A = arith.constant 0 : i32
    %dma_start3A_3 = arith.constant 0 : i32
    %dma_start3A_4 = tpu.memref_slice %arg5[%dma_start3A, %dma_start3A_3] : memref<50x128xi32, #tpu.memory_space<vmem>> -> memref<1x128xi32, #tpu.memory_space<vmem>>
    %dma_start3A_5 = tpu.memref_squeeze %dma_start3A_4 : memref<1x128xi32, #tpu.memory_space<vmem>> -> memref<128xi32, #tpu.memory_space<vmem>>
    %dma_start3A_6 = arith.constant 0 : i32
    %dma_start3A_7 = arith.constant 0 : i32
    %dma_start3A_8 = tpu.memref_slice %arg3[%dma_start3A_6, %dma_start3A_7] : memref<250240x128xf32, #tpu.memory_space<hbm>> -> memref<250240x128xf32, #tpu.memory_space<hbm>>
    tpu.enqueue_indirect_dma source(%dma_start3A_8 : memref<250240x128xf32, #tpu.memory_space<hbm>>) target(%arg6 : memref<128x128xf32, #tpu.memory_space<vmem>>) offsets(%dma_start3A_5 : memref<128xi32, #tpu.memory_space<vmem>>) semaphore(%arg8 : memref<!tpu.dma_semaphore, #tpu.memory_space<semaphore_mem>>)
    %dma_start3A_9 = arith.constant 1 : i32
    %dma_start3A_10 = arith.constant 0 : i32
    %dma_start3A_11 = tpu.memref_slice %arg5[%dma_start3A_9, %dma_start3A_10] : memref<50x128xi32, #tpu.memory_space<vmem>> -> memref<1x128xi32, #tpu.memory_space<vmem>>
    %dma_start3A_12 = tpu.memref_squeeze %dma_start3A_11 : memref<1x128xi32, #tpu.memory_space<vmem>> -> memref<128xi32, #tpu.memory_space<vmem>>
    %dma_start3A_13 = arith.constant 0 : i32
    %dma_start3A_14 = arith.constant 0 : i32
    %dma_start3A_15 = tpu.memref_slice %arg3[%dma_start3A_13, %dma_start3A_14] : memref<250240x128xf32, #tpu.memory_space<hbm>> -> memref<250240x128xf32, #tpu.memory_space<hbm>>
    tpu.enqueue_indirect_dma source(%dma_start3A_15 : memref<250240x128xf32, #tpu.memory_space<hbm>>) target(%arg7 : memref<128x128xf32, #tpu.memory_space<vmem>>) offsets(%dma_start3A_12 : memref<128xi32, #tpu.memory_space<vmem>>) semaphore(%arg9 : memref<!tpu.dma_semaphore, #tpu.memory_space<semaphore_mem>>)
    %scan3A = arith.constant 0 : i32
    %scan3A_16 = arith.constant 0 : i32
    %scan3A_17 = arith.constant 25 : i32
    %scan3A_18 = arith.addi %scan3A_16, %scan3A_17 : i32
    %scan3A_19 = arith.constant 1 : i32
    %scan3A_20 = scf.for %scan3A_22 = %scan3A_16 to %scan3A_18 step %scan3A_19 iter_args(%scan3A_23 = %scan3A) -> (i32)  : i32 {
      %mul3A_24 = arith.constant 2 : i32
      %mul3A_25 = arith.muli %scan3A_22, %mul3A_24 : i32
      %add3A_26 = arith.constant 0 : i32
      %add3A_27 = arith.addi %mul3A_25, %add3A_26 : i32
      %dma_wait3A = arith.constant 0 : i32
      %dma_wait3A_28 = tpu.memref_slice %arg5[%add3A_27, %dma_wait3A] : memref<50x128xi32, #tpu.memory_space<vmem>> -> memref<1x128xi32, #tpu.memory_space<vmem>>
      %dma_wait3A_29 = tpu.memref_squeeze %dma_wait3A_28 : memref<1x128xi32, #tpu.memory_space<vmem>> -> memref<128xi32, #tpu.memory_space<vmem>>
      %dma_wait3A_30 = arith.constant 0 : i32
      %dma_wait3A_31 = arith.constant 0 : i32
      %dma_wait3A_32 = tpu.memref_slice %arg3[%dma_wait3A_30, %dma_wait3A_31] : memref<250240x128xf32, #tpu.memory_space<hbm>> -> memref<250240x128xf32, #tpu.memory_space<hbm>>
      tpu.wait_indirect_dma semaphore(%arg8 : memref<!tpu.dma_semaphore, #tpu.memory_space<semaphore_mem>>) src(%dma_wait3A_32 : memref<250240x128xf32, #tpu.memory_space<hbm>>) dst(%arg6 : memref<128x128xf32, #tpu.memory_space<vmem>>)
      %mul3A_33 = arith.constant 4096 : i32
      %mul3A_34 = arith.muli %add3A_27, %mul3A_33 : i32
      %add3A_35 = arith.addi %mul3A_34, %mul3A_2 : i32
      "tpu.region"() ({
        %run_scoped3A = tpu.sem_alloc : memref<!tpu.dma_semaphore, #tpu.memory_space<semaphore_mem>>
        %dma_start3A_59 = arith.constant 0 : i32
        %dma_start3A_60 = tpu.memref_slice %arg4[%add3A_35, %dma_start3A_59] : memref<204800x128xf32, #tpu.memory_space<hbm>> -> memref<128x128xf32, #tpu.memory_space<hbm>>
        %dma_start3A_61 = arith.constant 0 : i32
        %dma_start3A_62 = tpu.memref_slice %arg4[%add3A_35, %dma_start3A_61] : memref<204800x128xf32, #tpu.memory_space<hbm>> -> memref<128x128xf32, #tpu.memory_space<hbm>>
        tpu.enqueue_dma source(%arg6 : memref<128x128xf32, #tpu.memory_space<vmem>>) target(%dma_start3A_62 : memref<128x128xf32, #tpu.memory_space<hbm>>) target_semaphore(%run_scoped3A : memref<!tpu.dma_semaphore, #tpu.memory_space<semaphore_mem>>)
        %dma_wait3A_63 = arith.constant 0 : i32
        %dma_wait3A_64 = tpu.memref_slice %arg4[%add3A_35, %dma_wait3A_63] : memref<204800x128xf32, #tpu.memory_space<hbm>> -> memref<128x128xf32, #tpu.memory_space<hbm>>
        %dma_wait3A_65 = arith.constant 0 : i32
        %dma_wait3A_66 = tpu.memref_slice %arg4[%add3A_35, %dma_wait3A_65] : memref<204800x128xf32, #tpu.memory_space<hbm>> -> memref<128x128xf32, #tpu.memory_space<hbm>>
        tpu.wait_dma2 semaphore(%run_scoped3A : memref<!tpu.dma_semaphore, #tpu.memory_space<semaphore_mem>>) src(%arg6 : memref<128x128xf32, #tpu.memory_space<vmem>>) dst(%dma_wait3A_66 : memref<128x128xf32, #tpu.memory_space<hbm>>)
        tpu.yield
      }) : () -> ()
      %add3A_36 = arith.constant 2 : i32
      %add3A_37 = arith.addi %add3A_27, %add3A_36 : i32
      %lt3A = arith.constant 50 : i32
      %lt3A_38 = arith.cmpi slt, %add3A_37, %lt3A : i32
      %convert_element_type3A = arith.extui %lt3A_38 : i1 to i32
      %cond3A = arith.constant 0 : i32
      %cond3A_39 = arith.cmpi ne, %convert_element_type3A, %cond3A : i32
      scf.if %cond3A_39 {
        %add3A_59 = arith.constant 2 : i32
        %add3A_60 = arith.addi %add3A_27, %add3A_59 : i32
        %dma_start3A_61 = arith.constant 0 : i32
        %dma_start3A_62 = tpu.memref_slice %arg5[%add3A_60, %dma_start3A_61] : memref<50x128xi32, #tpu.memory_space<vmem>> -> memref<1x128xi32, #tpu.memory_space<vmem>>
        %dma_start3A_63 = tpu.memref_squeeze %dma_start3A_62 : memref<1x128xi32, #tpu.memory_space<vmem>> -> memref<128xi32, #tpu.memory_space<vmem>>
        %dma_start3A_64 = arith.constant 0 : i32
        %dma_start3A_65 = arith.constant 0 : i32
        %dma_start3A_66 = tpu.memref_slice %arg3[%dma_start3A_64, %dma_start3A_65] : memref<250240x128xf32, #tpu.memory_space<hbm>> -> memref<250240x128xf32, #tpu.memory_space<hbm>>
        tpu.enqueue_indirect_dma source(%dma_start3A_66 : memref<250240x128xf32, #tpu.memory_space<hbm>>) target(%arg6 : memref<128x128xf32, #tpu.memory_space<vmem>>) offsets(%dma_start3A_63 : memref<128xi32, #tpu.memory_space<vmem>>) semaphore(%arg8 : memref<!tpu.dma_semaphore, #tpu.memory_space<semaphore_mem>>)
      } else {
      }
      %add3A_40 = arith.constant 1 : i32
      %add3A_41 = arith.addi %mul3A_25, %add3A_40 : i32
      %dma_wait3A_42 = arith.constant 0 : i32
      %dma_wait3A_43 = tpu.memref_slice %arg5[%add3A_41, %dma_wait3A_42] : memref<50x128xi32, #tpu.memory_space<vmem>> -> memref<1x128xi32, #tpu.memory_space<vmem>>
      %dma_wait3A_44 = tpu.memref_squeeze %dma_wait3A_43 : memref<1x128xi32, #tpu.memory_space<vmem>> -> memref<128xi32, #tpu.memory_space<vmem>>
      %dma_wait3A_45 = arith.constant 0 : i32
      %dma_wait3A_46 = arith.constant 0 : i32
      %dma_wait3A_47 = tpu.memref_slice %arg3[%dma_wait3A_45, %dma_wait3A_46] : memref<250240x128xf32, #tpu.memory_space<hbm>> -> memref<250240x128xf32, #tpu.memory_space<hbm>>
      tpu.wait_indirect_dma semaphore(%arg9 : memref<!tpu.dma_semaphore, #tpu.memory_space<semaphore_mem>>) src(%dma_wait3A_47 : memref<250240x128xf32, #tpu.memory_space<hbm>>) dst(%arg7 : memref<128x128xf32, #tpu.memory_space<vmem>>)
      %mul3A_48 = arith.constant 4096 : i32
      %mul3A_49 = arith.muli %add3A_41, %mul3A_48 : i32
      %add3A_50 = arith.addi %mul3A_49, %mul3A_2 : i32
      "tpu.region"() ({
        %run_scoped3A = tpu.sem_alloc : memref<!tpu.dma_semaphore, #tpu.memory_space<semaphore_mem>>
        %dma_start3A_59 = arith.constant 0 : i32
        %dma_start3A_60 = tpu.memref_slice %arg4[%add3A_50, %dma_start3A_59] : memref<204800x128xf32, #tpu.memory_space<hbm>> -> memref<128x128xf32, #tpu.memory_space<hbm>>
        %dma_start3A_61 = arith.constant 0 : i32
        %dma_start3A_62 = tpu.memref_slice %arg4[%add3A_50, %dma_start3A_61] : memref<204800x128xf32, #tpu.memory_space<hbm>> -> memref<128x128xf32, #tpu.memory_space<hbm>>
        tpu.enqueue_dma source(%arg7 : memref<128x128xf32, #tpu.memory_space<vmem>>) target(%dma_start3A_62 : memref<128x128xf32, #tpu.memory_space<hbm>>) target_semaphore(%run_scoped3A : memref<!tpu.dma_semaphore, #tpu.memory_space<semaphore_mem>>)
        %dma_wait3A_63 = arith.constant 0 : i32
        %dma_wait3A_64 = tpu.memref_slice %arg4[%add3A_50, %dma_wait3A_63] : memref<204800x128xf32, #tpu.memory_space<hbm>> -> memref<128x128xf32, #tpu.memory_space<hbm>>
        %dma_wait3A_65 = arith.constant 0 : i32
        %dma_wait3A_66 = tpu.memref_slice %arg4[%add3A_50, %dma_wait3A_65] : memref<204800x128xf32, #tpu.memory_space<hbm>> -> memref<128x128xf32, #tpu.memory_space<hbm>>
        tpu.wait_dma2 semaphore(%run_scoped3A : memref<!tpu.dma_semaphore, #tpu.memory_space<semaphore_mem>>) src(%arg7 : memref<128x128xf32, #tpu.memory_space<vmem>>) dst(%dma_wait3A_66 : memref<128x128xf32, #tpu.memory_space<hbm>>)
        tpu.yield
      }) : () -> ()
      %add3A_51 = arith.constant 2 : i32
      %add3A_52 = arith.addi %add3A_41, %add3A_51 : i32
      %lt3A_53 = arith.constant 50 : i32
      %lt3A_54 = arith.cmpi slt, %add3A_52, %lt3A_53 : i32
      %convert_element_type3A_55 = arith.extui %lt3A_54 : i1 to i32
      %cond3A_56 = arith.constant 0 : i32
      %cond3A_57 = arith.cmpi ne, %convert_element_type3A_55, %cond3A_56 : i32
      scf.if %cond3A_57 {
        %add3A_59 = arith.constant 2 : i32
        %add3A_60 = arith.addi %add3A_41, %add3A_59 : i32
        %dma_start3A_61 = arith.constant 0 : i32
        %dma_start3A_62 = tpu.memref_slice %arg5[%add3A_60, %dma_start3A_61] : memref<50x128xi32, #tpu.memory_space<vmem>> -> memref<1x128xi32, #tpu.memory_space<vmem>>
        %dma_start3A_63 = tpu.memref_squeeze %dma_start3A_62 : memref<1x128xi32, #tpu.memory_space<vmem>> -> memref<128xi32, #tpu.memory_space<vmem>>
        %dma_start3A_64 = arith.constant 0 : i32
        %dma_start3A_65 = arith.constant 0 : i32
        %dma_start3A_66 = tpu.memref_slice %arg3[%dma_start3A_64, %dma_start3A_65] : memref<250240x128xf32, #tpu.memory_space<hbm>> -> memref<250240x128xf32, #tpu.memory_space<hbm>>
        tpu.enqueue_indirect_dma source(%dma_start3A_66 : memref<250240x128xf32, #tpu.memory_space<hbm>>) target(%arg7 : memref<128x128xf32, #tpu.memory_space<vmem>>) offsets(%dma_start3A_63 : memref<128xi32, #tpu.memory_space<vmem>>) semaphore(%arg9 : memref<!tpu.dma_semaphore, #tpu.memory_space<semaphore_mem>>)
      } else {
      }
      %scan3A_58 = arith.constant 0 : i32
      scf.yield %scan3A_58 : i32
    }
    %scan3A_21 = arith.constant 25 : i32
    return
  }
}

module attributes {stable_mosaic.version = 14 : i64} {
  func.func @_pack_body(%arg0: i32, %arg1: memref<32x10880xf32, #tpu.memory_space<vmem>>, %arg2: memref<32x10880xf32, #tpu.memory_space<vmem>>, %arg3: memref<32x10880xf32, #tpu.memory_space<vmem>>, %arg4: memref<32x10880xf32, #tpu.memory_space<vmem>>, %arg5: memref<128x128xf32, #tpu.memory_space<vmem>>, %arg6: memref<10880x128xf32, #tpu.memory_space<vmem>>) attributes {dimension_semantics = [#tpu.dimension_semantics<arbitrary>], iteration_bounds = array<i64: 23>, scalar_prefetch = 0 : i64, scratch_operands = 0 : i64, tpu.core_type = #tpu.core_type<tc>, window_params = [{transform_indices = @transform_0, window_bounds = array<i64: 32, 10880>}, {transform_indices = @transform_1, window_bounds = array<i64: 32, 10880>}, {transform_indices = @transform_2, window_bounds = array<i64: 32, 10880>}, {transform_indices = @transform_3, window_bounds = array<i64: 32, 10880>}, {pipeline_mode = #tpu.pipeline_mode<synchronous>, transform_indices = @transform_4, window_bounds = array<i64: 128, 128>}, {transform_indices = @transform_5, window_bounds = array<i64: 10880, 128>}]} {
    %get3A = arith.constant 0 : index
    %get3A_0 = arith.constant 0 : index
    %get3A_1 = vector.load %arg1[%get3A, %get3A_0] : memref<32x10880xf32, #tpu.memory_space<vmem>>, vector<32x10880xf32>
    %get3A_2 = arith.constant 0 : index
    %get3A_3 = arith.constant 0 : index
    %get3A_4 = vector.load %arg2[%get3A_2, %get3A_3] : memref<32x10880xf32, #tpu.memory_space<vmem>>, vector<32x10880xf32>
    %get3A_5 = arith.constant 0 : index
    %get3A_6 = arith.constant 0 : index
    %get3A_7 = vector.load %arg3[%get3A_5, %get3A_6] : memref<32x10880xf32, #tpu.memory_space<vmem>>, vector<32x10880xf32>
    %get3A_8 = arith.constant 0 : index
    %get3A_9 = arith.constant 0 : index
    %get3A_10 = vector.load %arg4[%get3A_8, %get3A_9] : memref<32x10880xf32, #tpu.memory_space<vmem>>, vector<32x10880xf32>
    %concatenate3A = tpu.concatenate %get3A_1, %get3A_4, %get3A_7, %get3A_10 in 0 : vector<32x10880xf32>, vector<32x10880xf32>, vector<32x10880xf32>, vector<32x10880xf32> -> vector<128x10880xf32>
    %get3A_11 = arith.constant 0 : index
    %get3A_12 = arith.constant 0 : index
    %get3A_13 = vector.load %arg5[%get3A_11, %get3A_12] : memref<128x128xf32, #tpu.memory_space<vmem>>, vector<128x128xf32>
    %dot_general3A = arith.constant dense<0.000000e+00> : vector<10880x128xf32>
    %dot_general3A_14 = tpu.matmul %concatenate3A, %get3A_13, %dot_general3A {dimension_numbers = #tpu.dot_dimension_numbers<[0], [0], [1], [1], [0, 1, 1, 1], [], []>, transpose_lhs_hint = false} : vector<128x10880xf32>, vector<128x128xf32>, vector<10880x128xf32> -> vector<10880x128xf32>
    %swap3A = arith.constant 0 : index
    %swap3A_15 = arith.constant 0 : index
    %swap3A_16 = vector.load %arg6[%swap3A, %swap3A_15] : memref<10880x128xf32, #tpu.memory_space<vmem>>, vector<10880x128xf32>
    tpu.vector_store %arg6[%swap3A, %swap3A_15], %dot_general3A_14 {strides = array<i32>} : memref<10880x128xf32, #tpu.memory_space<vmem>>, vector<10880x128xf32>,
    return
  }
  func.func @transform_0(%arg0: i32) -> (i32, i32) {
    %add3A = arith.constant 0 : i32
    %add3A_0 = arith.addi %add3A, %arg0 : i32
    %c0_i32 = arith.constant 0 : i32
    %c0_i32_1 = arith.constant 0 : i32
    return %c0_i32, %add3A_0 : i32, i32
  }
  func.func @transform_1(%arg0: i32) -> (i32, i32) {
    %add3A = arith.constant 23 : i32
    %add3A_0 = arith.addi %add3A, %arg0 : i32
    %c0_i32 = arith.constant 0 : i32
    %c0_i32_1 = arith.constant 0 : i32
    return %c0_i32, %add3A_0 : i32, i32
  }
  func.func @transform_2(%arg0: i32) -> (i32, i32) {
    %add3A = arith.constant 46 : i32
    %add3A_0 = arith.addi %add3A, %arg0 : i32
    %c0_i32 = arith.constant 0 : i32
    %c0_i32_1 = arith.constant 0 : i32
    return %c0_i32, %add3A_0 : i32, i32
  }
  func.func @transform_3(%arg0: i32) -> (i32, i32) {
    %add3A = arith.constant 69 : i32
    %add3A_0 = arith.addi %add3A, %arg0 : i32
    %c0_i32 = arith.constant 0 : i32
    %c0_i32_1 = arith.constant 0 : i32
    return %c0_i32, %add3A_0 : i32, i32
  }
  func.func @transform_4(%arg0: i32) -> (i32, i32) {
    %c0_i32 = arith.constant 0 : i32
    %c0_i32_0 = arith.constant 0 : i32
    %c0_i32_1 = arith.constant 0 : i32
    return %c0_i32, %c0_i32_0 : i32, i32
  }
  func.func @transform_5(%arg0: i32) -> (i32, i32) {
    %c0_i32 = arith.constant 0 : i32
    %c0_i32_0 = arith.constant 0 : i32
    return %arg0, %c0_i32 : i32, i32
  }
}

module attributes {stable_mosaic.version = 14 : i64} {
  func.func @_tc_assemble_body(%arg0: i32, %arg1: i32, %arg2: memref<1x1x4096xf32, #tpu.memory_space<vmem>>, %arg3: memref<1x1x4096xf32, #tpu.memory_space<vmem>>, %arg4: memref<1x4096x128xf32, #tpu.memory_space<vmem>>, %arg5: memref<1x1x4096xi32, #tpu.memory_space<vmem>>, %arg6: memref<32x32xf32, #tpu.memory_space<vmem>>, %arg7: memref<1x32xf32, #tpu.memory_space<vmem>>, %arg8: memref<1x32xf32, #tpu.memory_space<vmem>>, %arg9: memref<1x32xf32, #tpu.memory_space<vmem>>, %arg10: memref<1x32xf32, #tpu.memory_space<vmem>>, %arg11: memref<3x32x4096xf32, #tpu.memory_space<vmem>>) attributes {dimension_semantics = [#tpu.dimension_semantics<arbitrary>, #tpu.dimension_semantics<arbitrary>], iteration_bounds = array<i64: 50, 1>, scalar_prefetch = 0 : i64, scratch_operands = 0 : i64, tpu.core_type = #tpu.core_type<tc>, window_params = [{transform_indices = @transform_0, window_bounds = array<i64: 1, 1, 4096>}, {transform_indices = @transform_1, window_bounds = array<i64: 1, 1, 4096>}, {transform_indices = @transform_2, window_bounds = array<i64: 1, 4096, 128>}, {transform_indices = @transform_3, window_bounds = array<i64: 1, 1, 4096>}, {pipeline_mode = #tpu.pipeline_mode<synchronous>, transform_indices = @transform_4, window_bounds = array<i64: 32, 32>}, {pipeline_mode = #tpu.pipeline_mode<synchronous>, transform_indices = @transform_5, window_bounds = array<i64: 1, 32>}, {pipeline_mode = #tpu.pipeline_mode<synchronous>, transform_indices = @transform_6, window_bounds = array<i64: 1, 32>}, {pipeline_mode = #tpu.pipeline_mode<synchronous>, transform_indices = @transform_7, window_bounds = array<i64: 1, 32>}, {pipeline_mode = #tpu.pipeline_mode<synchronous>, transform_indices = @transform_8, window_bounds = array<i64: 1, 32>}, {transform_indices = @transform_9, window_bounds = array<i64: 3, 32, 4096>}]} {
    %get3A = arith.constant 0 : index
    %get3A_0 = arith.constant 0 : index
    %get3A_1 = arith.constant 0 : index
    %get3A_2 = vector.load %arg5[%get3A, %get3A_0, %get3A_1] : memref<1x1x4096xi32, #tpu.memory_space<vmem>>, vector<1x1x4096xi32>
    %get3A_3 = vector.shape_cast %get3A_2 : vector<1x1x4096xi32> to vector<1x4096xi32>
    %jit3A = arith.constant 250240 : i32
    %div3A = vector.broadcast %jit3A : i32 to vector<1x4096xi32>
    %div3A_4 = arith.divsi %get3A_3, %div3A : vector<1x4096xi32>
    %sign3A = arith.constant 0 : i32
    %sign3A_5 = vector.broadcast %sign3A : i32 to vector<1x4096xi32>
    %sign3A_6 = arith.cmpi sgt, %get3A_3, %sign3A_5 : vector<1x4096xi32>
    %sign3A_7 = arith.extui %sign3A_6 : vector<1x4096xi1> to vector<1x4096xi32>
    %sign3A_8 = arith.constant 0 : i32
    %sign3A_9 = vector.broadcast %sign3A_8 : i32 to vector<1x4096xi32>
    %sign3A_10 = arith.cmpi slt, %get3A_3, %sign3A_9 : vector<1x4096xi32>
    %sign3A_11 = arith.extui %sign3A_10 : vector<1x4096xi1> to vector<1x4096xi32>
    %sign3A_12 = arith.subi %sign3A_7, %sign3A_11 : vector<1x4096xi32>
    %sign3A_13 = arith.constant 0 : i32
    %sign3A_14 = arith.cmpi sgt, %jit3A, %sign3A_13 : i32
    %sign3A_15 = arith.extui %sign3A_14 : i1 to i32
    %sign3A_16 = arith.constant 0 : i32
    %sign3A_17 = arith.cmpi slt, %jit3A, %sign3A_16 : i32
    %sign3A_18 = arith.extui %sign3A_17 : i1 to i32
    %sign3A_19 = arith.subi %sign3A_15, %sign3A_18 : i32
    %ne3A = vector.broadcast %sign3A_19 : i32 to vector<1x4096xi32>
    %ne3A_20 = arith.cmpi ne, %sign3A_12, %ne3A : vector<1x4096xi32>
    %rem3A = vector.broadcast %jit3A : i32 to vector<1x4096xi32>
    %rem3A_21 = arith.remsi %get3A_3, %rem3A : vector<1x4096xi32>
    %ne3A_22 = arith.constant 0 : i32
    %ne3A_23 = vector.broadcast %ne3A_22 : i32 to vector<1x4096xi32>
    %ne3A_24 = arith.cmpi ne, %rem3A_21, %ne3A_23 : vector<1x4096xi32>
    %and3A = arith.andi %ne3A_20, %ne3A_24 : vector<1x4096xi1>
    %sub3A = arith.constant 1 : i32
    %sub3A_25 = vector.broadcast %sub3A : i32 to vector<1x4096xi32>
    %sub3A_26 = arith.subi %div3A_4, %sub3A_25 : vector<1x4096xi32>
    %select_n3A = arith.select %and3A, %sub3A_26, %div3A_4 : vector<1x4096xi1>, vector<1x4096xi32>
    %reshape3A = vector.shape_cast %select_n3A : vector<1x4096xi32> to vector<4096x1xi32>
    %get3A_27 = arith.constant 0 : index
    %get3A_28 = arith.constant 0 : index
    %get3A_29 = arith.constant 0 : index
    %get3A_30 = vector.load %arg4[%get3A_27, %get3A_28, %get3A_29] : memref<1x4096x128xf32, #tpu.memory_space<vmem>>, vector<1x4096x128xf32>
    %get3A_31 = vector.shape_cast %get3A_30 : vector<1x4096x128xf32> to vector<4096x128xf32>
    %lt3A = arith.constant 2 : i32
    %lt3A_32 = vector.broadcast %lt3A : i32 to vector<4096x1xi32>
    %lt3A_33 = arith.cmpi slt, %reshape3A, %lt3A_32 : vector<4096x1xi32>
    %eq3A = arith.constant 0 : i32
    %eq3A_34 = vector.broadcast %eq3A : i32 to vector<4096x1xi32>
    %eq3A_35 = arith.cmpi eq, %reshape3A, %eq3A_34 : vector<4096x1xi32>
    %slice3A = vector.extract_strided_slice %get3A_31 {offsets = [0, 0], sizes = [4096, 32], strides = [1, 1]} : vector<4096x128xf32> to vector<4096x32xf32>
    %slice3A_36 = vector.extract_strided_slice %get3A_31 {offsets = [0, 32], sizes = [4096, 32], strides = [1, 1]} : vector<4096x128xf32> to vector<4096x32xf32>
    %broadcast_in_dim3A = vector.shape_cast %eq3A_35 : vector<4096x1xi1> to vector<4096x1xi1>
    %broadcast_in_dim3A_37 = vector.broadcast %broadcast_in_dim3A : vector<4096x1xi1> to vector<4096x32xi1>
    %select_n3A_38 = arith.select %broadcast_in_dim3A_37, %slice3A, %slice3A_36 : vector<4096x32xi1>, vector<4096x32xf32>
    %eq3A_39 = arith.constant 2 : i32
    %eq3A_40 = vector.broadcast %eq3A_39 : i32 to vector<4096x1xi32>
    %eq3A_41 = arith.cmpi eq, %reshape3A, %eq3A_40 : vector<4096x1xi32>
    %slice3A_42 = vector.extract_strided_slice %get3A_31 {offsets = [0, 64], sizes = [4096, 32], strides = [1, 1]} : vector<4096x128xf32> to vector<4096x32xf32>
    %slice3A_43 = vector.extract_strided_slice %get3A_31 {offsets = [0, 96], sizes = [4096, 32], strides = [1, 1]} : vector<4096x128xf32> to vector<4096x32xf32>
    %broadcast_in_dim3A_44 = vector.shape_cast %eq3A_41 : vector<4096x1xi1> to vector<4096x1xi1>
    %broadcast_in_dim3A_45 = vector.broadcast %broadcast_in_dim3A_44 : vector<4096x1xi1> to vector<4096x32xi1>
    %select_n3A_46 = arith.select %broadcast_in_dim3A_45, %slice3A_42, %slice3A_43 : vector<4096x32xi1>, vector<4096x32xf32>
    %broadcast_in_dim3A_47 = vector.shape_cast %lt3A_33 : vector<4096x1xi1> to vector<4096x1xi1>
    %broadcast_in_dim3A_48 = vector.broadcast %broadcast_in_dim3A_47 : vector<4096x1xi1> to vector<4096x32xi1>
    %select_n3A_49 = arith.select %broadcast_in_dim3A_48, %select_n3A_38, %select_n3A_46 : vector<4096x32xi1>, vector<4096x32xf32>
    %get3A_50 = arith.constant 0 : index
    %get3A_51 = arith.constant 0 : index
    %get3A_52 = vector.load %arg6[%get3A_50, %get3A_51] : memref<32x32xf32, #tpu.memory_space<vmem>>, vector<32x32xf32>
    %dot_general3A = arith.constant dense<0.000000e+00> : vector<32x4096xf32>
    %dot_general3A_53 = tpu.matmul %get3A_52, %select_n3A_49, %dot_general3A {dimension_numbers = #tpu.dot_dimension_numbers<[1], [1], [0], [0], [0, 0, 1, 0], [], []>, transpose_lhs_hint = false} : vector<32x32xf32>, vector<4096x32xf32>, vector<32x4096xf32> -> vector<32x4096xf32>
    %swap3A = arith.constant 1 : index
    %swap3A_54 = arith.constant 0 : index
    %swap3A_55 = arith.constant 0 : index
    %swap3A_56 = vector.load %arg11[%swap3A, %swap3A_54, %swap3A_55] : memref<3x32x4096xf32, #tpu.memory_space<vmem>>, vector<1x32x4096xf32>
    %swap3A_57 = vector.shape_cast %swap3A_56 : vector<1x32x4096xf32> to vector<32x4096xf32>
    %swap3A_58 = vector.shape_cast %dot_general3A_53 : vector<32x4096xf32> to vector<1x32x4096xf32>
    tpu.vector_store %arg11[%swap3A, %swap3A_54, %swap3A_55], %swap3A_58 {strides = array<i32>} : memref<3x32x4096xf32, #tpu.memory_space<vmem>>, vector<1x32x4096xf32>,
    %get3A_59 = arith.constant 0 : index
    %get3A_60 = arith.constant 0 : index
    %get3A_61 = vector.load %arg7[%get3A_59, %get3A_60] : memref<1x32xf32, #tpu.memory_space<vmem>>, vector<1x32xf32>
    %transpose3A = tpu.transpose %get3A_61, [1, 0] : vector<1x32xf32> -> vector<32x1xf32>
    %get3A_62 = arith.constant 0 : index
    %get3A_63 = arith.constant 0 : index
    %get3A_64 = vector.load %arg8[%get3A_62, %get3A_63] : memref<1x32xf32, #tpu.memory_space<vmem>>, vector<1x32xf32>
    %transpose3A_65 = tpu.transpose %get3A_64, [1, 0] : vector<1x32xf32> -> vector<32x1xf32>
    %get3A_66 = arith.constant 0 : index
    %get3A_67 = arith.constant 0 : index
    %get3A_68 = vector.load %arg9[%get3A_66, %get3A_67] : memref<1x32xf32, #tpu.memory_space<vmem>>, vector<1x32xf32>
    %transpose3A_69 = tpu.transpose %get3A_68, [1, 0] : vector<1x32xf32> -> vector<32x1xf32>
    %get3A_70 = arith.constant 0 : index
    %get3A_71 = arith.constant 0 : index
    %get3A_72 = vector.load %arg10[%get3A_70, %get3A_71] : memref<1x32xf32, #tpu.memory_space<vmem>>, vector<1x32xf32>
    %transpose3A_73 = tpu.transpose %get3A_72, [1, 0] : vector<1x32xf32> -> vector<32x1xf32>
    %get3A_74 = arith.constant 0 : index
    %get3A_75 = arith.constant 0 : index
    %get3A_76 = arith.constant 0 : index
    %get3A_77 = vector.load %arg2[%get3A_74, %get3A_75, %get3A_76] : memref<1x1x4096xf32, #tpu.memory_space<vmem>>, vector<1x1x4096xf32>
    %get3A_78 = vector.shape_cast %get3A_77 : vector<1x1x4096xf32> to vector<1x4096xf32>
    %get3A_79 = arith.constant 0 : index
    %get3A_80 = arith.constant 0 : index
    %get3A_81 = arith.constant 0 : index
    %get3A_82 = vector.load %arg3[%get3A_79, %get3A_80, %get3A_81] : memref<1x1x4096xf32, #tpu.memory_space<vmem>>, vector<1x1x4096xf32>
    %get3A_83 = vector.shape_cast %get3A_82 : vector<1x1x4096xf32> to vector<1x4096xf32>
    %mul3A = vector.broadcast %transpose3A : vector<32x1xf32> to vector<32x4096xf32>
    %mul3A_84 = vector.broadcast %get3A_78 : vector<1x4096xf32> to vector<32x4096xf32>
    %mul3A_85 = arith.mulf %mul3A, %mul3A_84 : vector<32x4096xf32>
    %add3A = vector.broadcast %transpose3A_65 : vector<32x1xf32> to vector<32x4096xf32>
    %add3A_86 = arith.addf %mul3A_85, %add3A : vector<32x4096xf32>
    %swap3A_87 = arith.constant 0 : index
    %swap3A_88 = arith.constant 0 : index
    %swap3A_89 = arith.constant 0 : index
    %swap3A_90 = vector.load %arg11[%swap3A_87, %swap3A_88, %swap3A_89] : memref<3x32x4096xf32, #tpu.memory_space<vmem>>, vector<1x32x4096xf32>
    %swap3A_91 = vector.shape_cast %swap3A_90 : vector<1x32x4096xf32> to vector<32x4096xf32>
    %swap3A_92 = vector.shape_cast %add3A_86 : vector<32x4096xf32> to vector<1x32x4096xf32>
    tpu.vector_store %arg11[%swap3A_87, %swap3A_88, %swap3A_89], %swap3A_92 {strides = array<i32>} : memref<3x32x4096xf32, #tpu.memory_space<vmem>>, vector<1x32x4096xf32>,
    %mul3A_93 = vector.broadcast %transpose3A_69 : vector<32x1xf32> to vector<32x4096xf32>
    %mul3A_94 = vector.broadcast %get3A_83 : vector<1x4096xf32> to vector<32x4096xf32>
    %mul3A_95 = arith.mulf %mul3A_93, %mul3A_94 : vector<32x4096xf32>
    %add3A_96 = vector.broadcast %transpose3A_73 : vector<32x1xf32> to vector<32x4096xf32>
    %add3A_97 = arith.addf %mul3A_95, %add3A_96 : vector<32x4096xf32>
    %swap3A_98 = arith.constant 2 : index
    %swap3A_99 = arith.constant 0 : index
    %swap3A_100 = arith.constant 0 : index
    %swap3A_101 = vector.load %arg11[%swap3A_98, %swap3A_99, %swap3A_100] : memref<3x32x4096xf32, #tpu.memory_space<vmem>>, vector<1x32x4096xf32>
    %swap3A_102 = vector.shape_cast %swap3A_101 : vector<1x32x4096xf32> to vector<32x4096xf32>
    %swap3A_103 = vector.shape_cast %add3A_97 : vector<32x4096xf32> to vector<1x32x4096xf32>
    tpu.vector_store %arg11[%swap3A_98, %swap3A_99, %swap3A_100], %swap3A_103 {strides = array<i32>} : memref<3x32x4096xf32, #tpu.memory_space<vmem>>, vector<1x32x4096xf32>,
    return
  }
  func.func @transform_0(%arg0: i32, %arg1: i32) -> (i32, i32, i32) {
    %c0_i32 = arith.constant 0 : i32
    %c0_i32_0 = arith.constant 0 : i32
    return %arg0, %c0_i32, %arg1 : i32, i32, i32
  }
  func.func @transform_1(%arg0: i32, %arg1: i32) -> (i32, i32, i32) {
    %c0_i32 = arith.constant 0 : i32
    %c0_i32_0 = arith.constant 0 : i32
    return %arg0, %c0_i32, %arg1 : i32, i32, i32
  }
  func.func @transform_2(%arg0: i32, %arg1: i32) -> (i32, i32, i32) {
    %c0_i32 = arith.constant 0 : i32
    %c0_i32_0 = arith.constant 0 : i32
    return %arg0, %arg1, %c0_i32 : i32, i32, i32
  }
  func.func @transform_3(%arg0: i32, %arg1: i32) -> (i32, i32, i32) {
    %c0_i32 = arith.constant 0 : i32
    %c0_i32_0 = arith.constant 0 : i32
    return %arg0, %c0_i32, %arg1 : i32, i32, i32
  }
  func.func @transform_4(%arg0: i32, %arg1: i32) -> (i32, i32) {
    %c0_i32 = arith.constant 0 : i32
    %c0_i32_0 = arith.constant 0 : i32
    %c0_i32_1 = arith.constant 0 : i32
    return %c0_i32, %c0_i32_0 : i32, i32
  }
  func.func @transform_5(%arg0: i32, %arg1: i32) -> (i32, i32) {
    %c0_i32 = arith.constant 0 : i32
    %c0_i32_0 = arith.constant 0 : i32
    %c0_i32_1 = arith.constant 0 : i32
    return %c0_i32, %c0_i32_0 : i32, i32
  }
  func.func @transform_6(%arg0: i32, %arg1: i32) -> (i32, i32) {
    %c0_i32 = arith.constant 0 : i32
    %c0_i32_0 = arith.constant 0 : i32
    %c0_i32_1 = arith.constant 0 : i32
    return %c0_i32, %c0_i32_0 : i32, i32
  }
  func.func @transform_7(%arg0: i32, %arg1: i32) -> (i32, i32) {
    %c0_i32 = arith.constant 0 : i32
    %c0_i32_0 = arith.constant 0 : i32
    %c0_i32_1 = arith.constant 0 : i32
    return %c0_i32, %c0_i32_0 : i32, i32
  }
  func.func @transform_8(%arg0: i32, %arg1: i32) -> (i32, i32) {
    %c0_i32 = arith.constant 0 : i32
    %c0_i32_0 = arith.constant 0 : i32
    %c0_i32_1 = arith.constant 0 : i32
    return %c0_i32, %c0_i32_0 : i32, i32
  }
  func.func @transform_9(%arg0: i32, %arg1: i32) -> (i32, i32, i32) {
    %c0_i32 = arith.constant 0 : i32
    %c0_i32_0 = arith.constant 0 : i32
    return %arg0, %c0_i32, %arg1 : i32, i32, i32
  }
}

</mosaic_0001>

<sc_bundles>
// kernel: kernel.5.cloned.1.call-start
scs
__scs_entry_jumppad:
0x0: {  	(pc) =	sbr.rel $0x88, $3  }
0x1: {  	(tag) =	ssettag $0x0;
	lr =	simm.s32 $0x1  }
0x2: {  	[smem:$0x3F99] =	sst lr;
	_ =	strace $0xD0000000  }
0x3: {  	_ = 	snop  }
0x4: {  	_ = 	snop  }
0x5: {  	_ = 	snop  }
0x6: {  	_ = 	snop  }
0x7: {  	_ = 	snop  }
__scs_overlays_trampoline_lowered:
0x8: {  	[smem:$0x3FA8] =	sst s0  }
0x9: {  	[smem:$0x3FA9] =	sst s1  }
0xa: {  	[smem:$0x3FAA] =	sst s2  }
0xb: {  	[smem:$0x3FAB] =	sst s3  }
0xc: {  	[smem:$0x3FAC] =	sst s4  }
0xd: {  	[smem:$0x3FAD] =	sst s5  }
0xe: {  	[smem:$0x3FAE] =	sst s6  }
0xf: {  	[smem:$0x3FAF] =	sst s7  }
0x10: {  	[smem:$0x3FB0] =	sst s8  }
0x11: {  	[smem:$0x3FB1] =	sst s9;
	s0 =	simm.s32 @!p0 $0x0  }
0x12: {  	s1 =	sld [smem:$0x3F97];
	s0 =	simm.s32 @p0 $0x1  }
0x13: {  	[smem:$0x3FB2] =	sst s0;
	s0 =	simm.s32 @!p1 $0x0  }
0x14: {  	s2 =	sld [smem:$0x3F96];
	s0 =	simm.s32 @p1 $0x1  }
0x15: {  	[smem:$0x3FB3] =	sst s0;
	s0 =	simm.s32 @!p2 $0x0  }
0x16: {  	s3 =	sld [smem:$0x3FDB];
	s0 =	simm.s32 @p2 $0x1  }
0x17: {  	s4 =	simm.s32 $0x1BF5;
	[smem:$0x3FB5] =	sst s0  }
0x18: {  	s0 =	sld [smem:$0x3F98];
	_ =	swait.ge [sflag:s4], $0x0  }
0x19: {  	s7 =	sld [smem:$0x3F99]  }
0x1a: {  	s8 =	sadd.s32 $0xFFFFE003, lr  }
0x1b: {  	s9 =	sadd.s32 $0xFFFFFEF7, lr;
	s5 =	simm.s32 $0xFFFFFFFF;
	p2 =	slt.u32 s8, $0xFFFFF086  }
0x1c: {  	p1 =	slt.u32 s9, $0xF7A;
	s5 =	simm.s32 @!p2 $0x0  }
0x1d: {  	s5 =	simm.s32 @p1 $0x1;
	p0 =	seq.s32 s7, s2  }
0x1e: {  	s7 =	smul.u32 @!p0 $0xF7A, s2;
	p2 =	seq.s32 @!p0 s5, $0x0  }
0x1f: {  	s9 =	smul.u32 $0xF7A, s1;
	s8 =	simm.s32 @!p0 $0x1BF5;
	p2 =	por !p2, p0  }
0x20: {  	[sflag:s8] =	ssyncset.s32 @!p0 $0xFFFFF086;
	s6 =	sadd.s32 @!p0 s3, s7;
	s7 =	simm.s32 @!p0 $0x108  }
0x21: {  	s3 =	sadd.s32 s3, s9;
	s6 =	sadd.s32 @!p0 $0x88, s6;
	s7 =	simm.s32 @p2 $0x1082  }
0x22: {  	[simem:s7], [sflag:s8] =	dma.local @!p0 [hbm:s6], $0xF7A  }
0x23: {  	s9 =	sor.u32 $0xD0000000, s2;
	s6 =	simm.s32 $0x108;
	_ =	swait.ge @!p0 [sflag:s8], $0x0  }
0x24: {  	s3 =	sadd.s32 $0x88, s3;
	s6 =	simm.s32 @!p1 $0x1082;
	[sflag:s4] =	ssyncset.s32 $0xFFFFF086  }
0x25: {  	[simem:s6], [sflag:s4] =	dma.local [hbm:s3], $0xF7A  }
0x26: {  	[smem:$0x3F99] =	sst s1;
	(tag) =	ssettag s2;
	_ =	strace s9  }
0x27: {  	s1 =	sld [smem:$0x3FA9]  }
0x28: {  	s2 =	sld [smem:$0x3FAA]  }
0x29: {  	s4 =	sld [smem:$0x3FAC]  }
0x2a: {  	p0 =	seq.s32 s5, $0x0;
	s5 =	sld [smem:$0x3FAD]  }
0x2b: {  	s6 =	sld [smem:$0x3FAE]  }
0x2c: {  	s7 =	sld [smem:$0x3FAF]  }
0x2d: {  	s3 =	simm.s32 $0x108;
	s8 =	sld [smem:$0x3FB0]  }
0x2e: {  	s3 =	simm.s32 @!p0 $0x1082;
	s9 =	sld [smem:$0x3FB1]  }
0x2f: {  	lr =	sadd.s32 s0, s3;
	s0 =	sld [smem:$0x3FA8]  }
0x30: {  	s3 =	sld [smem:$0x3FAB]  }
0x31: {  	[smem:$0x3FB4] =	sst s10  }
0x32: {  	s10 =	sld [smem:$0x3FB2];
	_ =	sdelay $0x3  }
0x33: {  	p0 =	seq.s32 s10, $0x1;
	s10 =	sld [smem:$0x3FB4];
	_ =	sdelay $0x3  }
0x34: {  	[smem:$0x3FB4] =	sst s10  }
0x35: {  	s10 =	sld [smem:$0x3FB3];
	_ =	sdelay $0x3  }
0x36: {  	p1 =	seq.s32 s10, $0x1;
	s10 =	sld [smem:$0x3FB4];
	_ =	sdelay $0x3  }
0x37: {  	[smem:$0x3FB4] =	sst s10  }
0x38: {  	s10 =	sld [smem:$0x3FB5]  }
0x39: {  	_ = 	snop;
	(pc) =	sbr.ind lr, $3  }
0x3a: {  	_ = 	snop  }
0x3b: {  	_ = 	snop  }
0x3c: {  	p2 =	seq.s32 s10, $0x1;
	s10 =	sld [smem:$0x3FB4]  }
0x3d: {  	_ =	shalt  }
0x3e: {  	_ =	shalt  }
0x3f: {  	_ =	shalt  }
0x40: {  	_ =	shalt  }
0x41: {  	_ =	shalt  }
0x42: {  	_ =	shalt  }
0x43: {  	_ =	shalt  }
0x44: {  	_ =	shalt  }
0x45: {  	_ =	shalt  }
0x46: {  	_ =	shalt  }
0x47: {  	_ =	shalt  }
0x48: {  	_ =	shalt  }
0x49: {  	_ =	shalt  }
0x4a: {  	_ =	shalt  }
0x4b: {  	_ =	shalt  }
0x4c: {  	_ =	shalt  }
0x4d: {  	_ =	shalt  }
0x4e: {  	_ =	shalt  }
0x4f: {  	_ =	shalt  }
0x50: {  	_ =	shalt  }
0x51: {  	_ =	shalt  }
0x52: {  	_ =	shalt  }
0x53: {  	_ =	shalt  }
0x54: {  	_ =	shalt  }
0x55: {  	_ =	shalt  }
0x56: {  	_ =	shalt  }
0x57: {  	_ =	shalt  }
0x58: {  	_ =	shalt  }
0x59: {  	_ =	shalt  }
0x5a: {  	_ =	shalt  }
0x5b: {  	_ =	shalt  }
0x5c: {  	_ =	shalt  }
0x5d: {  	_ =	shalt  }
0x5e: {  	_ =	shalt  }
0x5f: {  	_ =	shalt  }
0x60: {  	_ =	shalt  }
0x61: {  	_ =	shalt  }
0x62: {  	_ =	shalt  }
0x63: {  	_ =	shalt  }
0x64: {  	_ =	shalt  }
0x65: {  	_ =	shalt  }
0x66: {  	_ =	shalt  }
0x67: {  	_ =	shalt  }
0x68: {  	_ =	shalt  }
0x69: {  	_ =	shalt  }
0x6a: {  	_ =	shalt  }
0x6b: {  	_ =	shalt  }
0x6c: {  	_ =	shalt  }
0x6d: {  	_ =	shalt  }
0x6e: {  	_ =	shalt  }
0x6f: {  	_ =	shalt  }
0x70: {  	_ =	shalt  }
0x71: {  	_ =	shalt  }
0x72: {  	_ =	shalt  }
0x73: {  	_ =	shalt  }
0x74: {  	_ =	shalt  }
0x75: {  	_ =	shalt  }
0x76: {  	_ =	shalt  }
0x77: {  	_ =	shalt  }
0x78: {  	_ =	shalt  }
0x79: {  	_ =	shalt  }
0x7a: {  	_ =	shalt  }
0x7b: {  	_ =	shalt  }
0x7c: {  	_ =	shalt  }
0x7d: {  	_ =	shalt  }
0x7e: {  	_ =	shalt  }
0x7f: {  	_ =	shalt  }
0x80: {  	_ =	shalt  }
0x81: {  	_ =	shalt  }
0x82: {  	_ =	shalt  }
0x83: {  	_ =	shalt  }
0x84: {  	_ =	shalt  }
0x85: {  	_ =	shalt  }
0x86: {  	_ =	shalt  }
0x87: {  	_ =	shalt  }
.Lfunc_end0:
.L_simem_size_0:
called_computation_lowered:
.L_overlay_start_0:
0x88: {  	s2 =	sld [smem:$0x3FD9]  }
0x89: {  	s3 =	sld [smem:$0x3FFE];
	_ =	sdelay $0x1  }
0x8a: {  	s1 =	srdreg.scid  }
0x8b: {  	s0 =	sand.u32 $0x1, s1  }
0x8c: {  	s17 =	sshll.u32 s0, $0xA;
	s2 =	sadd.s32 s3, s2  }
0x8d: {  	s2 =	sadd.s32 s2, s17  }
0x8e: {  	[smem:$0x3FC0] =	sst s2  }
0x8f: {  	_ = 	snop  }
0x90: {  	s2 =	sld [smem:$0x3FD0];
	(tm) =	ssettm $0x1  }
0x91: {  	s18 =	sld [smem:$0x3FFB];
	_ =	sdelay $0x3  }
0x92: {  	_ =	strace s18  }
0x93: {  	s3 =	sld [smem:$0x3FFC];
	_ =	sdelay $0x3  }
0x94: {  	_ =	strace s3  }
0x95: {  	s3 =	sld [smem:$0x3FFD];
	_ =	sdelay $0x3  }
0x96: {  	_ =	strace s3  }
0x97: {  	_ =	strace $0x8FFFFFFF  }
0x98: {  	s19 =	sld [smem:$0x3FDB];
	_ =	sdelay $0x1  }
0x99: {  	s4 =	simm.s32 $_scs_section_size  }
0x9a: {  	s5 =	simm.s32 $_size__tile_overlayer_lowered;
	s6 =	simm.s32 $_tile_overlayer_lowered  }
0x9b: {  	s22 =	simm.s32 $0x1BFF;
	s21 =	sshll.u32 s6, $0x1;
	s3 =	sadd.s32 s4, s19  }
0x9c: {  	s7 =	simm.s32 $0x0;
	s20 =	sshll.u32 s5, $0x1;
	s5 =	sadd.s32 s21, s3  }
0x9d: {  	[timem:s7], [sflag:s22] =	dma.local [hbm:s5], s20  }
0x9e: {  	_ =	swait.ge [sflag:s22], s20  }
0x9f: {  	s4 =	ssub.s32 $0x0, s20;
	[sflag:s22] =	ssyncset.done $0x0  }
0xa0: {  	[sflag:s22] =	ssyncadd.s32 s4;
	_ =	sdelay $0x1  }
0xa1: {  	s23 =	simm.s32 $0x1B8B  }
0xa2: {  	_ =	swait.ge [sflag:s23], $0x1  }
0xa3: {  	[sflag:s23] =	ssyncset.done $0x0  }
0xa4: {  	s25 =	simm.s32 $0x1B8E;
	s24 =	sld [smem:$0x3FFE];
	[sflag:s23] =	ssyncadd.s32 $0xFFFFFFFF  }
0xa5: {  	s26 =	simm.s32 $execute0_lowered;
	[smem:$0x3FD2] =	sst s25  }
0xa6: {  	s5 =	sshll.u32 s26, $0x1;
	_ =	strace $0x80000046;
	[dreg:$0x1] =	wrdreg $0xFFFFFFFF  }
0xa7: {  	s28 =	simm.s32 $_size_execute0_lowered;
	s3 =	sadd.s32 s3, s5;
	[dreg:$0x0] =	wrdreg $0x0  }
0xa8: {  	s5 =	sshll.u32 s28, $0x1;
	[dreg:$0x2] =	wrdreg s3  }
0xa9: {  	[dreg:$0x3] =	wrdreg s5  }
0xaa: {  	[dreg:$0x4] =	wrdreg $0xC0  }
0xab: {  	_ =	task [dreg:s7], $0x5FFFF  }
0xac: {  	[dreg:$0x1] =	wrdreg $0xFFFFFFFF  }
0xad: {  	[dreg:$0x0] =	wrdreg $0x60  }
0xae: {  	[dreg:$0x2] =	wrdreg s2  }
0xaf: {  	[dreg:$0x3] =	wrdreg s24  }
0xb0: {  	[dreg:$0x4] =	wrdreg $0x9  }
0xb1: {  	_ =	task.clear_ibuf [dreg:s7], $0x5FFFF;
	_ =	strace $0x90000046  }
0xb2: {  	s29 =	simm.s32 $0x9;
	_ =	strace $0x80000048  }
0xb3: {  	_ =	swait.ge [sflag:s29], $0x1  }
0xb4: {  	[sflag:s29] =	ssyncadd.s32 $0xFFFFFFFF  }
0xb5: {  	_ =	strace $0x90000048  }
0xb6: {  	_ =	sfence  }
0xb7: {  	s30 =	sld [smem:$0x0];
	_ =	sdelay $0x2  }
0xb8: {  	s31 =	sshll.u32 s1, $0xD;
	s1 =	sshrl.u32 s1, $0x2  }
0xb9: {  	s3 =	sand.u32 $0x4000, s31;
	s1 =	sadd.s32 s1, s30  }
0xba: {  	s0 =	sor.u32 s3, s0;
	s1 =	sshll.u32 s1, $0x11  }
0xbb: {  	s0 =	sor.u32 s1, s0  }
0xbc: {  	s0 =	sadd.s32 $0x8F2B, s0  }
0xbd: {  	[sflag:s0] =	ssyncadd.remote.s32 $0x1  }
0xbe: {  	_ =	sfence.sel $0xFFFF  }
0xbf: {  	[dreg:$0x0] =	wrdreg $0xFFFFFFFF;
	(pc) =	sbr.abs _section_cstart, $3  }
0xc0: {  	[dreg:$0x1] =	wrdreg $0xFFFFFFFF  }
0xc1: {  	_ =	task.clear_ibuf [dreg:s7], $0x2FFFF;
	_ =	strace $0x9FFFFFFF  }
0xc2: {  	(tm) =	ssettm $0x7FFFFFFF  }
0xc3: {  	_ =	shalt  }
tec
execute0_lowered:
.L_overlay_start_1:
0x0: {  	(tag) =	ssettag $0x1  }
0x1: {  	s4 =	rddreg [dreg:$0x0]  }
0x2: {  	s5 =	rddreg [dreg:$0x1]  }
0x3: {  	s0 =	rddreg [dreg:$0x2];
	s2 =	simm.s32 $0x0;
	s3 =	srdreg.scid  }
0x4: {  	s1 =	stileid.u32;
	s12 =	simm.s32 $0x1800;
	s13 =	simm.s32 $0x3  }
0x5: {  	s14 =	simm.s32 $0x80;
	s15 =	simm.s32 $0x1C00;
	s16 =	simm.s32 $0x5C00  }
0x6: {  	s17 =	simm.s32 $0x1;
	s18 =	simm.s32 $0x2;
	s19 =	simm.s32 $0x0  }
0x7: {  	[smem:$0x7FF] =	sst s2;
	s8 =	sand.u32 $0x1, s3;
	s6 =	sshll.u32 s1, $0x8  }
0x8: {  	s3 =	sadd.s32 $0x1200, s5;
	s10 =	sadd.s32 $0x3D2A00, s5;
	s11 =	sshll.u32 s1, $0xC  }
0x9: {  	_ =	strace $0x80000047;
	s7 =	sshll.u32 s8, $0x7;
	s9 =	ssub.s32 $0x2, s8  }
0xa: {  	s31 =	sshll.u32 s8, $0xB;
	s6 =	sor.u32 s7, s6;
	s28 =	sshrl.u32 s9, $0x1  }
0xb: {  	s4 =	sadd.s32 s4, s6;
	s29 =	ssub.s32 s9, s28;
	s30 =	sshll.u32 s6, $0x4  }
0xc: {  	s5 =	sadd.s32 $0x6000, s4;
	s6 =	smax.u32 s29, $0x1;
	s9 =	sadd.s32 s30, s10  }
0xd: {  	s10 =	sadd.s32 s11, s10;
	s11 =	simm.s32 $0x8000;
	s7 =	sadd.s32 $0x300000, s9  }
0xe: {  	s8 =	sadd.s32 $0x310000, s9;
	s9 =	sadd.s32 s31, s10;
	s10 =	simm.s32 $0x400  }
.LBB2_1:
0xf: {  	[tilespmem:s2], [sflag:$0x3] =	stream.strided.gather [hbm4b:s4+s10], $0x1800, s11, s10, $0x38;
	[tilespmem:$0x9C00] =	vst v63  }
0x10: {  	_ = 	snop  }
0x11: {  	[tilespmem:s12], [sflag:$0x3] =	stream.linear.gather [hbm4b:s5+s2], $0x100, $0x38;
	[tilespmem:$0x9C00] =	vst v63  }
0x12: {  	_ =	swait.ge [sflag:s13], $0x1900  }
0x13: {  	[sflag:s13] =	ssyncset.done $0x0  }
0x14: {  	[sflag:s13] =	ssyncadd.s32 $0xFFFFE700  }
0x15: {  	[tilespmem:s15], [sflag:$0x1] =	stream.indirect.gather [hbm4b:s3+s14], $0x80, s2, s14, $0xb8;
	[tilespmem:$0x9C00] =	vst v63  }
0x16: {  	_ = 	snop  }
0x17: {  	[tilespmem:s16], [sflag:$0x2] =	stream.indirect.gather [hbm4b:s3+s14], $0x80, s14, s14, $0xb8;
	[tilespmem:$0x9C00] =	vst v63  }
0x18: {  	_ =	swait.ge [sflag:s17], $0x4000  }
0x19: {  	[sflag:s17] =	ssyncset.done $0x0  }
0x1a: {  	s20 =	sadd.s32 $0x0, s9;
	[sflag:s17] =	ssyncadd.s32 $0xFFFFC000  }
0x1b: {  	[hbm4b:s20+s2] =	stream.linear.scatter [tilespmem:s15], [sflag:$0x3], $0x4000, $0x38;
	[tilespmem:$0x9C00] =	vst v63  }
0x1c: {  	_ =	swait.ge [sflag:s13], $0x4000  }
0x1d: {  	[sflag:s13] =	ssyncset.done $0x0  }
0x1e: {  	s21 =	simm.s32 $0x100;
	[sflag:s13] =	ssyncadd.s32 $0xFFFFC000  }
0x1f: {  	[tilespmem:s15], [sflag:$0x1] =	stream.indirect.gather [hbm4b:s3+s14], $0x80, s21, s14, $0xb8;
	[tilespmem:$0x9C00] =	vst v63  }
0x20: {  	_ =	swait.ge [sflag:s18], $0x4000  }
0x21: {  	[sflag:s18] =	ssyncset.done $0x0  }
0x22: {  	s20 =	sadd.s32 $0x10000, s20;
	[sflag:s18] =	ssyncadd.s32 $0xFFFFC000  }
0x23: {  	[hbm4b:s20+s2] =	stream.linear.scatter [tilespmem:s16], [sflag:$0x3], $0x4000, $0x38;
	[tilespmem:$0x9C00] =	vst v63  }
0x24: {  	_ =	swait.ge [sflag:s13], $0x4000  }
0x25: {  	s22 =	simm.s32 $0x280;
	[sflag:s13] =	ssyncset.done $0x0  }
0x26: {  	s21 =	simm.s32 $0x20000;
	s20 =	simm.s32 $0x180;
	[sflag:s13] =	ssyncadd.s32 $0xFFFFC000  }
.LBB2_2:
0x27: {  	[tilespmem:s16], [sflag:$0x2] =	stream.indirect.gather [hbm4b:s3+s14], $0x80, s20, s14, $0xb8;
	[tilespmem:$0x9C00] =	vst v63  }
0x28: {  	s23 =	smov.u32 s21;
	s20 =	smov.u32 s22  }
0x29: {  	p0 =	sne.s32 s21, $0x2E0000;
	s21 =	sadd.s32 $0x20000, s21;
	_ =	swait.ge [sflag:s17], $0x4000  }
0x2a: {  	[sflag:s17] =	ssyncset.done $0x0  }
0x2b: {  	s23 =	sadd.s32 s23, s9;
	[sflag:s17] =	ssyncadd.s32 $0xFFFFC000  }
0x2c: {  	[hbm4b:s23+s2] =	stream.linear.scatter [tilespmem:s15], [sflag:$0x3], $0x4000, $0x38;
	[tilespmem:$0x9C00] =	vst v63  }
0x2d: {  	_ =	swait.ge [sflag:s13], $0x4000  }
0x2e: {  	[sflag:s13] =	ssyncset.done $0x0  }
0x2f: {  	s24 =	sadd.s32 $0xFFFFFF80, s22;
	[sflag:s13] =	ssyncadd.s32 $0xFFFFC000  }
0x30: {  	[tilespmem:s15], [sflag:$0x1] =	stream.indirect.gather [hbm4b:s3+s14], $0x80, s24, s14, $0xb8;
	[tilespmem:$0x9C00] =	vst v63  }
0x31: {  	_ =	swait.ge [sflag:s18], $0x4000  }
0x32: {  	[sflag:s18] =	ssyncset.done $0x0  }
.Ltmp0:
0x33: {  	s23 =	sadd.s32 $0x10000, s23;
	[sflag:s18] =	ssyncadd.s32 $0xFFFFC000;
	(pc) =	sbr.rel @p0 .LBB2_2-.Ltmp0, $4  }
0x34: {  	[hbm4b:s23+s2] =	stream.linear.scatter [tilespmem:s16], [sflag:$0x3], $0x4000, $0x38;
	[tilespmem:$0x9C00] =	vst v63  }
0x35: {  	_ =	swait.ge [sflag:s13], $0x4000  }
0x36: {  	[sflag:s13] =	ssyncset.done $0x0  }
0x37: {  	s22 =	sadd.s32 $0x100, s22;
	[sflag:s13] =	ssyncadd.s32 $0xFFFFC000  }
0x38: {  	[tilespmem:s16], [sflag:$0x2] =	stream.indirect.gather [hbm4b:s3+s14], $0x80, s20, s14, $0xb8;
	[tilespmem:$0x9C00] =	vst v63  }
0x39: {  	_ =	swait.ge [sflag:s17], $0x4000  }
0x3a: {  	[sflag:s17] =	ssyncset.done $0x0  }
0x3b: {  	[sflag:s17] =	ssyncadd.s32 $0xFFFFC000  }
0x3c: {  	[hbm4b:s7+s2] =	stream.linear.scatter [tilespmem:s15], [sflag:$0x3], $0x4000, $0x38;
	[tilespmem:$0x9C00] =	vst v63  }
0x3d: {  	_ =	swait.ge [sflag:s13], $0x4000  }
0x3e: {  	[sflag:s13] =	ssyncset.done $0x0  }
0x3f: {  	[sflag:s13] =	ssyncadd.s32 $0xFFFFC000  }
0x40: {  	s19 =	sadd.s32 $0x1, s19;
	_ =	swait.ge [sflag:s18], $0x4000  }
0x41: {  	p0 =	sne.s32 s19, s6;
	[sflag:s18] =	ssyncset.done $0x0  }
.Ltmp1:
0x42: {  	[sflag:s18] =	ssyncadd.s32 $0xFFFFC000;
	(pc) =	sbr.rel @p0 .LBB2_1-.Ltmp1, $4  }
0x43: {  	[hbm4b:s8+s2] =	stream.linear.scatter [tilespmem:s16], [sflag:$0x3], $0x4000, $0x38;
	[tilespmem:$0x9C00] =	vst v63  }
0x44: {  	_ =	swait.ge [sflag:s13], $0x4000  }
0x45: {  	[sflag:s13] =	ssyncset.done $0x0  }
0x46: {  	[sflag:s13] =	ssyncadd.s32 $0xFFFFC000  }
0x47: {  	_ =	sfence.sel $0x180000  }
0x48: {  	[bflag:$0x0] =	sbarrier.arrive $0xFFFF  }
0x49: {  	p0 =	sne.s32 s1, $0x0;
	_ =	strace $0x90000047  }
0x4a: {  	s0 =	sadd.s32 @!p0 $0x100000, s0;
	[bflag:$0x2] =	sbarrier.arrive $0xFFFF  }
0x4b: {  	[sflag:s0] =	ssyncadd.tile.s32 @!p0 $0x1;
	_ =	shalt  }
.Lfunc_end2:
_tile_overlayer_lowered:
.L_overlay_start_2:
0x4c: {  	(tag) =	ssettag $0x2  }
0x4d: {  	s0 =	rddreg [dreg:$0x0];
	s2 =	stileid.u32  }
0x4e: {  	s1 =	rddreg [dreg:$0x1];
	p0 =	sne.s32 s2, $0x0  }
0x4f: {  	s3 =	rddreg [dreg:$0x2];
	[bflag:$0x3] =	sbarrier.arrive $0xFFFF;
	s2 =	simm.s32 @!p0 $0x1C03  }
0x50: {  	[timem:s3], [sflag:s2] =	dma.local @!p0 [hbm:s0], s1  }
0x51: {  	s0 =	simm.s32 @!p0 $0x3  }
0x52: {  	_ =	swait.ge @!p0 [sflag:s0], s1  }
0x53: {  	s1 =	ssub.s32 @!p0 $0x0, s1;
	[sflag:s0] =	ssyncset.done @!p0 $0x0  }
0x54: {  	[sflag:s0] =	ssyncadd.s32 @!p0 s1  }
0x55: {  	[bflag:$0x3] =	sbarrier.arrive $0xFFFF  }
0x56: {  	_ =	shalt  }

</sc_bundles>
